<compile_context>
chip_gen: v7x
topology: tpu7x:2x2x1
jax: 0.10.2.dev20260603
libtpu: 0.0.44.dev20260713+nightly
codegen_flags: <defaults>
</compile_context>

<pallas_src>
import functools

import jax
import jax.numpy as jnp
from jax import lax
from jax.experimental import pallas as pl
from jax.experimental.pallas import tpu as pltpu
from jax.experimental.pallas import tpu_sc as plsc

NC = 2
NS = 16
L = 16


def kernel(frame_type_ids, frame_tokens):
    B = frame_type_ids.shape[0]
    T, TOK, H = frame_tokens.shape
    NW = NC * NS
    b_per_w = B // NW
    groups = b_per_w // L

    ids = frame_type_ids.astype(jnp.int32)

    mesh = plsc.VectorSubcoreMesh(core_axis_name="c", subcore_axis_name="s")

    @functools.partial(
        pl.kernel,
        out_type=jax.ShapeDtypeStruct((B, TOK, H), jnp.float32),
        mesh=mesh,
        scratch_types=[
            pltpu.VMEM((T, TOK, H), jnp.float32),
            pltpu.VMEM((b_per_w,), jnp.int32),
            pltpu.SemaphoreType.DMA,
        ],
    )
    def run(ids_hbm, table_hbm, out_hbm, table_v, idx_v, sem):
        wid = lax.axis_index("s") * NC + lax.axis_index("c")
        base = wid * b_per_w
        pltpu.sync_copy(table_hbm, table_v)
        pltpu.sync_copy(ids_hbm.at[pl.ds(base, b_per_w)], idx_v)

        def group_body(g, _):
            vec = idx_v[pl.ds(g * L, L)]
            for e in range(L):
                id_e = vec[e]
                b = base + g * L + e
                pltpu.async_copy(table_v.at[id_e], out_hbm.at[b], sem)
            return 0

        lax.fori_loop(0, groups, group_body, 0)

        def drain_body(i, _):
            pltpu.make_async_copy(table_v.at[0], out_hbm.at[base], sem).wait()
            return 0

        lax.fori_loop(0, b_per_w, drain_body, 0)

    return run(ids, frame_tokens)

# --- scband reference (transcript-rebuilt; emitter-appended) ---
"""Pipeline reference for scband-frame-token-module-72550587564372 (READ-ONLY COPY).

The authoritative reference and input builder live on the scoring server;
editing this copy changes nothing except your own understanding.
"""

import jax, jax.numpy as jnp
import numpy as np


def setup_inputs(seed: int = 0) -> dict:
    key = jax.random.key(seed)
    k_idx, k_tok = jax.random.split(key)
    batch = 16384
    num_frame_types = 4
    tokens_per_frame = 4
    hidden_dim = 2048
    frame_type_ids = jax.random.randint(k_idx, (batch,), 0, num_frame_types, dtype=jnp.int64 if jax.config.jax_enable_x64 else jnp.int32)
    frame_tokens = jax.random.normal(k_tok, (num_frame_types, tokens_per_frame, hidden_dim), dtype=jnp.float32) * 0.02
    return {"frame_type_ids": frame_type_ids, "frame_tokens": frame_tokens}


def reference(frame_type_ids, frame_tokens):
    # Gather one (tokens_per_frame, hidden_dim) block per batch element.
    # Equivalent to torch: self.frame_tokens[frame_type_ids]
    return jnp.take(frame_tokens, frame_type_ids, axis=0)

if __name__ == "__main__":
    import jax
    _d = setup_inputs()
    print(jax.jit(kernel)(*tuple(_d.values())))

</pallas_src>

<mosaic_0001>
#map = affine_map<(d0, d1) -> (0)>
#map1 = affine_map<(d0, d1) -> (0, 0, 0)>
module attributes {stable_mosaic.version = 14 : i64} {
  func.func @run(%arg0: i32, %arg1: i32, %arg2: memref<16384xi32, #tpu.memory_space<hbm>>, %arg3: memref<4x4x2048xf32, #tpu.memory_space<hbm>>, %arg4: memref<16384x4x2048xf32, #tpu.memory_space<hbm>>, %arg5: memref<4x4x2048xf32, #tpu.memory_space<vmem>>, %arg6: memref<512xi32, #tpu.memory_space<vmem>>, %arg7: memref<!tpu.dma_semaphore, #tpu.memory_space<semaphore_mem>>) attributes {dimension_semantics = [#tpu.dimension_semantics<core_parallel>, #tpu.dimension_semantics<subcore_parallel>], iteration_bounds = array<i64: 2, 16>, scalar_prefetch = 0 : i64, scratch_operands = 3 : i64, tpu.core_type = #tpu.core_type<sc_vector_subcore>, window_params = [{transform_indices = #map}, {transform_indices = #map1}, {transform_indices = #map1}]} {
    %mul3A = arith.constant 2 : i32
    %mul3A_0 = arith.muli %arg1, %mul3A : i32
    %add3A = arith.addi %mul3A_0, %arg0 : i32
    %mul3A_1 = arith.constant 512 : i32
    %mul3A_2 = arith.muli %add3A, %mul3A_1 : i32
    "tpu.region"() ({
      %run_scoped3A = tpu.sem_alloc : memref<!tpu.dma_semaphore, #tpu.memory_space<semaphore_mem>>
      tpu.enqueue_dma source(%arg3 : memref<4x4x2048xf32, #tpu.memory_space<hbm>>) target(%arg5 : memref<4x4x2048xf32, #tpu.memory_space<vmem>>) target_semaphore(%run_scoped3A : memref<!tpu.dma_semaphore, #tpu.memory_space<semaphore_mem>>)
      tpu.wait_dma2 semaphore(%run_scoped3A : memref<!tpu.dma_semaphore, #tpu.memory_space<semaphore_mem>>) src(%arg3 : memref<4x4x2048xf32, #tpu.memory_space<hbm>>) dst(%arg5 : memref<4x4x2048xf32, #tpu.memory_space<vmem>>)
      tpu.yield
    }) : () -> ()
    "tpu.region"() ({
      %run_scoped3A = tpu.sem_alloc : memref<!tpu.dma_semaphore, #tpu.memory_space<semaphore_mem>>
      %dma_start3A = tpu.memref_slice %arg2[%mul3A_2] : memref<16384xi32, #tpu.memory_space<hbm>> -> memref<512xi32, #tpu.memory_space<hbm>>
      %dma_start3A_16 = tpu.memref_slice %arg2[%mul3A_2] : memref<16384xi32, #tpu.memory_space<hbm>> -> memref<512xi32, #tpu.memory_space<hbm>>
      tpu.enqueue_dma source(%dma_start3A_16 : memref<512xi32, #tpu.memory_space<hbm>>) target(%arg6 : memref<512xi32, #tpu.memory_space<vmem>>) target_semaphore(%run_scoped3A : memref<!tpu.dma_semaphore, #tpu.memory_space<semaphore_mem>>)
      %dma_wait3A = tpu.memref_slice %arg2[%mul3A_2] : memref<16384xi32, #tpu.memory_space<hbm>> -> memref<512xi32, #tpu.memory_space<hbm>>
      %dma_wait3A_17 = tpu.memref_slice %arg2[%mul3A_2] : memref<16384xi32, #tpu.memory_space<hbm>> -> memref<512xi32, #tpu.memory_space<hbm>>
      tpu.wait_dma2 semaphore(%run_scoped3A : memref<!tpu.dma_semaphore, #tpu.memory_space<semaphore_mem>>) src(%dma_wait3A_17 : memref<512xi32, #tpu.memory_space<hbm>>) dst(%arg6 : memref<512xi32, #tpu.memory_space<vmem>>)
      tpu.yield
    }) : () -> ()
    %scan3A = arith.constant 0 : i32
    %scan3A_3 = arith.constant 0 : i32
    %scan3A_4 = arith.constant 32 : i32
    %scan3A_5 = arith.addi %scan3A_3, %scan3A_4 : i32
    %scan3A_6 = arith.constant 1 : i32
    %scan3A_7 = scf.for %scan3A_16 = %scan3A_3 to %scan3A_5 step %scan3A_6 iter_args(%scan3A_17 = %scan3A) -> (i32)  : i32 {
      %mul3A_18 = arith.constant 16 : i32
      %mul3A_19 = arith.muli %scan3A_16, %mul3A_18 : i32
      %get3A = arith.index_cast %mul3A_19 : i32 to index
      %get3A_20 = tpu.vector_load %arg6[%get3A] {strides = array<i32>} : memref<512xi32, #tpu.memory_space<vmem>>, vector<16xi32>,
      %get3A_21 = vector.shape_cast %get3A_20 : vector<16xi32> to vector<16xi32>
      %slice3A = vector.extract_strided_slice %get3A_21 {offsets = [0], sizes = [1], strides = [1]} : vector<16xi32> to vector<1xi32>
      %squeeze3A = vector.extract %slice3A[0] : i32 from vector<1xi32>
      %mul3A_22 = arith.constant 16 : i32
      %mul3A_23 = arith.muli %scan3A_16, %mul3A_22 : i32
      %add3A_24 = arith.addi %mul3A_2, %mul3A_23 : i32
      %add3A_25 = arith.constant 0 : i32
      %add3A_26 = arith.addi %add3A_24, %add3A_25 : i32
      %dma_start3A = arith.constant 0 : i32
      %dma_start3A_27 = arith.constant 0 : i32
      %dma_start3A_28 = tpu.memref_slice %arg5[%squeeze3A, %dma_start3A, %dma_start3A_27] : memref<4x4x2048xf32, #tpu.memory_space<vmem>> -> memref<1x4x2048xf32, #tpu.memory_space<vmem>>
      %dma_start3A_29 = tpu.memref_squeeze %dma_start3A_28 : memref<1x4x2048xf32, #tpu.memory_space<vmem>> -> memref<4x2048xf32, #tpu.memory_space<vmem>>
      %dma_start3A_30 = arith.constant 0 : i32
      %dma_start3A_31 = arith.constant 0 : i32
      %dma_start3A_32 = tpu.memref_slice %arg4[%add3A_26, %dma_start3A_30, %dma_start3A_31] : memref<16384x4x2048xf32, #tpu.memory_space<hbm>> -> memref<1x4x2048xf32, #tpu.memory_space<hbm>>
      %dma_start3A_33 = tpu.memref_squeeze %dma_start3A_32 : memref<1x4x2048xf32, #tpu.memory_space<hbm>> -> memref<4x2048xf32, #tpu.memory_space<hbm>>
      %dma_start3A_34 = arith.constant 0 : i32
      %dma_start3A_35 = arith.constant 0 : i32
      %dma_start3A_36 = tpu.memref_slice %arg4[%add3A_26, %dma_start3A_34, %dma_start3A_35] : memref<16384x4x2048xf32, #tpu.memory_space<hbm>> -> memref<1x4x2048xf32, #tpu.memory_space<hbm>>
      %dma_start3A_37 = tpu.memref_squeeze %dma_start3A_36 : memref<1x4x2048xf32, #tpu.memory_space<hbm>> -> memref<4x2048xf32, #tpu.memory_space<hbm>>
      %dma_start3A_38 = arith.constant 0 : i32
      %dma_start3A_39 = arith.constant 0 : i32
      %dma_start3A_40 = tpu.memref_slice %arg5[%squeeze3A, %dma_start3A_38, %dma_start3A_39] : memref<4x4x2048xf32, #tpu.memory_space<vmem>> -> memref<1x4x2048xf32, #tpu.memory_space<vmem>>
      %dma_start3A_41 = tpu.memref_squeeze %dma_start3A_40 : memref<1x4x2048xf32, #tpu.memory_space<vmem>> -> memref<4x2048xf32, #tpu.memory_space<vmem>>
      tpu.enqueue_dma source(%dma_start3A_41 : memref<4x2048xf32, #tpu.memory_space<vmem>>) target(%dma_start3A_37 : memref<4x2048xf32, #tpu.memory_space<hbm>>) target_semaphore(%arg7 : memref<!tpu.dma_semaphore, #tpu.memory_space<semaphore_mem>>)
      %slice3A_42 = vector.extract_strided_slice %get3A_21 {offsets = [1], sizes = [1], strides = [1]} : vector<16xi32> to vector<1xi32>
      %squeeze3A_43 = vector.extract %slice3A_42[0] : i32 from vector<1xi32>
      %mul3A_44 = arith.constant 16 : i32
      %mul3A_45 = arith.muli %scan3A_16, %mul3A_44 : i32
      %add3A_46 = arith.addi %mul3A_2, %mul3A_45 : i32
      %add3A_47 = arith.constant 1 : i32
      %add3A_48 = arith.addi %add3A_46, %add3A_47 : i32
      %dma_start3A_49 = arith.constant 0 : i32
      %dma_start3A_50 = arith.constant 0 : i32
      %dma_start3A_51 = tpu.memref_slice %arg5[%squeeze3A_43, %dma_start3A_49, %dma_start3A_50] : memref<4x4x2048xf32, #tpu.memory_space<vmem>> -> memref<1x4x2048xf32, #tpu.memory_space<vmem>>
      %dma_start3A_52 = tpu.memref_squeeze %dma_start3A_51 : memref<1x4x2048xf32, #tpu.memory_space<vmem>> -> memref<4x2048xf32, #tpu.memory_space<vmem>>
      %dma_start3A_53 = arith.constant 0 : i32
      %dma_start3A_54 = arith.constant 0 : i32
      %dma_start3A_55 = tpu.memref_slice %arg4[%add3A_48, %dma_start3A_53, %dma_start3A_54] : memref<16384x4x2048xf32, #tpu.memory_space<hbm>> -> memref<1x4x2048xf32, #tpu.memory_space<hbm>>
      %dma_start3A_56 = tpu.memref_squeeze %dma_start3A_55 : memref<1x4x2048xf32, #tpu.memory_space<hbm>> -> memref<4x2048xf32, #tpu.memory_space<hbm>>
      %dma_start3A_57 = arith.constant 0 : i32
      %dma_start3A_58 = arith.constant 0 : i32
      %dma_start3A_59 = tpu.memref_slice %arg4[%add3A_48, %dma_start3A_57, %dma_start3A_58] : memref<16384x4x2048xf32, #tpu.memory_space<hbm>> -> memref<1x4x2048xf32, #tpu.memory_space<hbm>>
      %dma_start3A_60 = tpu.memref_squeeze %dma_start3A_59 : memref<1x4x2048xf32, #tpu.memory_space<hbm>> -> memref<4x2048xf32, #tpu.memory_space<hbm>>
      %dma_start3A_61 = arith.constant 0 : i32
      %dma_start3A_62 = arith.constant 0 : i32
      %dma_start3A_63 = tpu.memref_slice %arg5[%squeeze3A_43, %dma_start3A_61, %dma_start3A_62] : memref<4x4x2048xf32, #tpu.memory_space<vmem>> -> memref<1x4x2048xf32, #tpu.memory_space<vmem>>
      %dma_start3A_64 = tpu.memref_squeeze %dma_start3A_63 : memref<1x4x2048xf32, #tpu.memory_space<vmem>> -> memref<4x2048xf32, #tpu.memory_space<vmem>>
      tpu.enqueue_dma source(%dma_start3A_64 : memref<4x2048xf32, #tpu.memory_space<vmem>>) target(%dma_start3A_60 : memref<4x2048xf32, #tpu.memory_space<hbm>>) target_semaphore(%arg7 : memref<!tpu.dma_semaphore, #tpu.memory_space<semaphore_mem>>)
      %slice3A_65 = vector.extract_strided_slice %get3A_21 {offsets = [2], sizes = [1], strides = [1]} : vector<16xi32> to vector<1xi32>
      %squeeze3A_66 = vector.extract %slice3A_65[0] : i32 from vector<1xi32>
      %mul3A_67 = arith.constant 16 : i32
      %mul3A_68 = arith.muli %scan3A_16, %mul3A_67 : i32
      %add3A_69 = arith.addi %mul3A_2, %mul3A_68 : i32
      %add3A_70 = arith.constant 2 : i32
      %add3A_71 = arith.addi %add3A_69, %add3A_70 : i32
      %dma_start3A_72 = arith.constant 0 : i32
      %dma_start3A_73 = arith.constant 0 : i32
      %dma_start3A_74 = tpu.memref_slice %arg5[%squeeze3A_66, %dma_start3A_72, %dma_start3A_73] : memref<4x4x2048xf32, #tpu.memory_space<vmem>> -> memref<1x4x2048xf32, #tpu.memory_space<vmem>>
      %dma_start3A_75 = tpu.memref_squeeze %dma_start3A_74 : memref<1x4x2048xf32, #tpu.memory_space<vmem>> -> memref<4x2048xf32, #tpu.memory_space<vmem>>
      %dma_start3A_76 = arith.constant 0 : i32
      %dma_start3A_77 = arith.constant 0 : i32
      %dma_start3A_78 = tpu.memref_slice %arg4[%add3A_71, %dma_start3A_76, %dma_start3A_77] : memref<16384x4x2048xf32, #tpu.memory_space<hbm>> -> memref<1x4x2048xf32, #tpu.memory_space<hbm>>
      %dma_start3A_79 = tpu.memref_squeeze %dma_start3A_78 : memref<1x4x2048xf32, #tpu.memory_space<hbm>> -> memref<4x2048xf32, #tpu.memory_space<hbm>>
      %dma_start3A_80 = arith.constant 0 : i32
      %dma_start3A_81 = arith.constant 0 : i32
      %dma_start3A_82 = tpu.memref_slice %arg4[%add3A_71, %dma_start3A_80, %dma_start3A_81] : memref<16384x4x2048xf32, #tpu.memory_space<hbm>> -> memref<1x4x2048xf32, #tpu.memory_space<hbm>>
      %dma_start3A_83 = tpu.memref_squeeze %dma_start3A_82 : memref<1x4x2048xf32, #tpu.memory_space<hbm>> -> memref<4x2048xf32, #tpu.memory_space<hbm>>
      %dma_start3A_84 = arith.constant 0 : i32
      %dma_start3A_85 = arith.constant 0 : i32
      %dma_start3A_86 = tpu.memref_slice %arg5[%squeeze3A_66, %dma_start3A_84, %dma_start3A_85] : memref<4x4x2048xf32, #tpu.memory_space<vmem>> -> memref<1x4x2048xf32, #tpu.memory_space<vmem>>
      %dma_start3A_87 = tpu.memref_squeeze %dma_start3A_86 : memref<1x4x2048xf32, #tpu.memory_space<vmem>> -> memref<4x2048xf32, #tpu.memory_space<vmem>>
      tpu.enqueue_dma source(%dma_start3A_87 : memref<4x2048xf32, #tpu.memory_space<vmem>>) target(%dma_start3A_83 : memref<4x2048xf32, #tpu.memory_space<hbm>>) target_semaphore(%arg7 : memref<!tpu.dma_semaphore, #tpu.memory_space<semaphore_mem>>)
      %slice3A_88 = vector.extract_strided_slice %get3A_21 {offsets = [3], sizes = [1], strides = [1]} : vector<16xi32> to vector<1xi32>
      %squeeze3A_89 = vector.extract %slice3A_88[0] : i32 from vector<1xi32>
      %mul3A_90 = arith.constant 16 : i32
      %mul3A_91 = arith.muli %scan3A_16, %mul3A_90 : i32
      %add3A_92 = arith.addi %mul3A_2, %mul3A_91 : i32
      %add3A_93 = arith.constant 3 : i32
      %add3A_94 = arith.addi %add3A_92, %add3A_93 : i32
      %dma_start3A_95 = arith.constant 0 : i32
      %dma_start3A_96 = arith.constant 0 : i32
      %dma_start3A_97 = tpu.memref_slice %arg5[%squeeze3A_89, %dma_start3A_95, %dma_start3A_96] : memref<4x4x2048xf32, #tpu.memory_space<vmem>> -> memref<1x4x2048xf32, #tpu.memory_space<vmem>>
      %dma_start3A_98 = tpu.memref_squeeze %dma_start3A_97 : memref<1x4x2048xf32, #tpu.memory_space<vmem>> -> memref<4x2048xf32, #tpu.memory_space<vmem>>
      %dma_start3A_99 = arith.constant 0 : i32
      %dma_start3A_100 = arith.constant 0 : i32
      %dma_start3A_101 = tpu.memref_slice %arg4[%add3A_94, %dma_start3A_99, %dma_start3A_100] : memref<16384x4x2048xf32, #tpu.memory_space<hbm>> -> memref<1x4x2048xf32, #tpu.memory_space<hbm>>
      %dma_start3A_102 = tpu.memref_squeeze %dma_start3A_101 : memref<1x4x2048xf32, #tpu.memory_space<hbm>> -> memref<4x2048xf32, #tpu.memory_space<hbm>>
      %dma_start3A_103 = arith.constant 0 : i32
      %dma_start3A_104 = arith.constant 0 : i32
      %dma_start3A_105 = tpu.memref_slice %arg4[%add3A_94, %dma_start3A_103, %dma_start3A_104] : memref<16384x4x2048xf32, #tpu.memory_space<hbm>> -> memref<1x4x2048xf32, #tpu.memory_space<hbm>>
      %dma_start3A_106 = tpu.memref_squeeze %dma_start3A_105 : memref<1x4x2048xf32, #tpu.memory_space<hbm>> -> memref<4x2048xf32, #tpu.memory_space<hbm>>
      %dma_start3A_107 = arith.constant 0 : i32
      %dma_start3A_108 = arith.constant 0 : i32
      %dma_start3A_109 = tpu.memref_slice %arg5[%squeeze3A_89, %dma_start3A_107, %dma_start3A_108] : memref<4x4x2048xf32, #tpu.memory_space<vmem>> -> memref<1x4x2048xf32, #tpu.memory_space<vmem>>
      %dma_start3A_110 = tpu.memref_squeeze %dma_start3A_109 : memref<1x4x2048xf32, #tpu.memory_space<vmem>> -> memref<4x2048xf32, #tpu.memory_space<vmem>>
      tpu.enqueue_dma source(%dma_start3A_110 : memref<4x2048xf32, #tpu.memory_space<vmem>>) target(%dma_start3A_106 : memref<4x2048xf32, #tpu.memory_space<hbm>>) target_semaphore(%arg7 : memref<!tpu.dma_semaphore, #tpu.memory_space<semaphore_mem>>)
      %slice3A_111 = vector.extract_strided_slice %get3A_21 {offsets = [4], sizes = [1], strides = [1]} : vector<16xi32> to vector<1xi32>
      %squeeze3A_112 = vector.extract %slice3A_111[0] : i32 from vector<1xi32>
      %mul3A_113 = arith.constant 16 : i32
      %mul3A_114 = arith.muli %scan3A_16, %mul3A_113 : i32
      %add3A_115 = arith.addi %mul3A_2, %mul3A_114 : i32
      %add3A_116 = arith.constant 4 : i32
      %add3A_117 = arith.addi %add3A_115, %add3A_116 : i32
      %dma_start3A_118 = arith.constant 0 : i32
      %dma_start3A_119 = arith.constant 0 : i32
      %dma_start3A_120 = tpu.memref_slice %arg5[%squeeze3A_112, %dma_start3A_118, %dma_start3A_119] : memref<4x4x2048xf32, #tpu.memory_space<vmem>> -> memref<1x4x2048xf32, #tpu.memory_space<vmem>>
      %dma_start3A_121 = tpu.memref_squeeze %dma_start3A_120 : memref<1x4x2048xf32, #tpu.memory_space<vmem>> -> memref<4x2048xf32, #tpu.memory_space<vmem>>
      %dma_start3A_122 = arith.constant 0 : i32
      %dma_start3A_123 = arith.constant 0 : i32
      %dma_start3A_124 = tpu.memref_slice %arg4[%add3A_117, %dma_start3A_122, %dma_start3A_123] : memref<16384x4x2048xf32, #tpu.memory_space<hbm>> -> memref<1x4x2048xf32, #tpu.memory_space<hbm>>
      %dma_start3A_125 = tpu.memref_squeeze %dma_start3A_124 : memref<1x4x2048xf32, #tpu.memory_space<hbm>> -> memref<4x2048xf32, #tpu.memory_space<hbm>>
      %dma_start3A_126 = arith.constant 0 : i32
      %dma_start3A_127 = arith.constant 0 : i32
      %dma_start3A_128 = tpu.memref_slice %arg4[%add3A_117, %dma_start3A_126, %dma_start3A_127] : memref<16384x4x2048xf32, #tpu.memory_space<hbm>> -> memref<1x4x2048xf32, #tpu.memory_space<hbm>>
      %dma_start3A_129 = tpu.memref_squeeze %dma_start3A_128 : memref<1x4x2048xf32, #tpu.memory_space<hbm>> -> memref<4x2048xf32, #tpu.memory_space<hbm>>
      %dma_start3A_130 = arith.constant 0 : i32
      %dma_start3A_131 = arith.constant 0 : i32
      %dma_start3A_132 = tpu.memref_slice %arg5[%squeeze3A_112, %dma_start3A_130, %dma_start3A_131] : memref<4x4x2048xf32, #tpu.memory_space<vmem>> -> memref<1x4x2048xf32, #tpu.memory_space<vmem>>
      %dma_start3A_133 = tpu.memref_squeeze %dma_start3A_132 : memref<1x4x2048xf32, #tpu.memory_space<vmem>> -> memref<4x2048xf32, #tpu.memory_space<vmem>>
      tpu.enqueue_dma source(%dma_start3A_133 : memref<4x2048xf32, #tpu.memory_space<vmem>>) target(%dma_start3A_129 : memref<4x2048xf32, #tpu.memory_space<hbm>>) target_semaphore(%arg7 : memref<!tpu.dma_semaphore, #tpu.memory_space<semaphore_mem>>)
      %slice3A_134 = vector.extract_strided_slice %get3A_21 {offsets = [5], sizes = [1], strides = [1]} : vector<16xi32> to vector<1xi32>
      %squeeze3A_135 = vector.extract %slice3A_134[0] : i32 from vector<1xi32>
      %mul3A_136 = arith.constant 16 : i32
      %mul3A_137 = arith.muli %scan3A_16, %mul3A_136 : i32
      %add3A_138 = arith.addi %mul3A_2, %mul3A_137 : i32
      %add3A_139 = arith.constant 5 : i32
      %add3A_140 = arith.addi %add3A_138, %add3A_139 : i32
      %dma_start3A_141 = arith.constant 0 : i32
      %dma_start3A_142 = arith.constant 0 : i32
      %dma_start3A_143 = tpu.memref_slice %arg5[%squeeze3A_135, %dma_start3A_141, %dma_start3A_142] : memref<4x4x2048xf32, #tpu.memory_space<vmem>> -> memref<1x4x2048xf32, #tpu.memory_space<vmem>>
      %dma_start3A_144 = tpu.memref_squeeze %dma_start3A_143 : memref<1x4x2048xf32, #tpu.memory_space<vmem>> -> memref<4x2048xf32, #tpu.memory_space<vmem>>
      %dma_start3A_145 = arith.constant 0 : i32
      %dma_start3A_146 = arith.constant 0 : i32
      %dma_start3A_147 = tpu.memref_slice %arg4[%add3A_140, %dma_start3A_145, %dma_start3A_146] : memref<16384x4x2048xf32, #tpu.memory_space<hbm>> -> memref<1x4x2048xf32, #tpu.memory_space<hbm>>
      %dma_start3A_148 = tpu.memref_squeeze %dma_start3A_147 : memref<1x4x2048xf32, #tpu.memory_space<hbm>> -> memref<4x2048xf32, #tpu.memory_space<hbm>>
      %dma_start3A_149 = arith.constant 0 : i32
      %dma_start3A_150 = arith.constant 0 : i32
      %dma_start3A_151 = tpu.memref_slice %arg4[%add3A_140, %dma_start3A_149, %dma_start3A_150] : memref<16384x4x2048xf32, #tpu.memory_space<hbm>> -> memref<1x4x2048xf32, #tpu.memory_space<hbm>>
      %dma_start3A_152 = tpu.memref_squeeze %dma_start3A_151 : memref<1x4x2048xf32, #tpu.memory_space<hbm>> -> memref<4x2048xf32, #tpu.memory_space<hbm>>
      %dma_start3A_153 = arith.constant 0 : i32
      %dma_start3A_154 = arith.constant 0 : i32
      %dma_start3A_155 = tpu.memref_slice %arg5[%squeeze3A_135, %dma_start3A_153, %dma_start3A_154] : memref<4x4x2048xf32, #tpu.memory_space<vmem>> -> memref<1x4x2048xf32, #tpu.memory_space<vmem>>
      %dma_start3A_156 = tpu.memref_squeeze %dma_start3A_155 : memref<1x4x2048xf32, #tpu.memory_space<vmem>> -> memref<4x2048xf32, #tpu.memory_space<vmem>>
      tpu.enqueue_dma source(%dma_start3A_156 : memref<4x2048xf32, #tpu.memory_space<vmem>>) target(%dma_start3A_152 : memref<4x2048xf32, #tpu.memory_space<hbm>>) target_semaphore(%arg7 : memref<!tpu.dma_semaphore, #tpu.memory_space<semaphore_mem>>)
      %slice3A_157 = vector.extract_strided_slice %get3A_21 {offsets = [6], sizes = [1], strides = [1]} : vector<16xi32> to vector<1xi32>
      %squeeze3A_158 = vector.extract %slice3A_157[0] : i32 from vector<1xi32>
      %mul3A_159 = arith.constant 16 : i32
      %mul3A_160 = arith.muli %scan3A_16, %mul3A_159 : i32
      %add3A_161 = arith.addi %mul3A_2, %mul3A_160 : i32
      %add3A_162 = arith.constant 6 : i32
      %add3A_163 = arith.addi %add3A_161, %add3A_162 : i32
      %dma_start3A_164 = arith.constant 0 : i32
      %dma_start3A_165 = arith.constant 0 : i32
      %dma_start3A_166 = tpu.memref_slice %arg5[%squeeze3A_158, %dma_start3A_164, %dma_start3A_165] : memref<4x4x2048xf32, #tpu.memory_space<vmem>> -> memref<1x4x2048xf32, #tpu.memory_space<vmem>>
      %dma_start3A_167 = tpu.memref_squeeze %dma_start3A_166 : memref<1x4x2048xf32, #tpu.memory_space<vmem>> -> memref<4x2048xf32, #tpu.memory_space<vmem>>
      %dma_start3A_168 = arith.constant 0 : i32
      %dma_start3A_169 = arith.constant 0 : i32
      %dma_start3A_170 = tpu.memref_slice %arg4[%add3A_163, %dma_start3A_168, %dma_start3A_169] : memref<16384x4x2048xf32, #tpu.memory_space<hbm>> -> memref<1x4x2048xf32, #tpu.memory_space<hbm>>
      %dma_start3A_171 = tpu.memref_squeeze %dma_start3A_170 : memref<1x4x2048xf32, #tpu.memory_space<hbm>> -> memref<4x2048xf32, #tpu.memory_space<hbm>>
      %dma_start3A_172 = arith.constant 0 : i32
      %dma_start3A_173 = arith.constant 0 : i32
      %dma_start3A_174 = tpu.memref_slice %arg4[%add3A_163, %dma_start3A_172, %dma_start3A_173] : memref<16384x4x2048xf32, #tpu.memory_space<hbm>> -> memref<1x4x2048xf32, #tpu.memory_space<hbm>>
      %dma_start3A_175 = tpu.memref_squeeze %dma_start3A_174 : memref<1x4x2048xf32, #tpu.memory_space<hbm>> -> memref<4x2048xf32, #tpu.memory_space<hbm>>
      %dma_start3A_176 = arith.constant 0 : i32
      %dma_start3A_177 = arith.constant 0 : i32
      %dma_start3A_178 = tpu.memref_slice %arg5[%squeeze3A_158, %dma_start3A_176, %dma_start3A_177] : memref<4x4x2048xf32, #tpu.memory_space<vmem>> -> memref<1x4x2048xf32, #tpu.memory_space<vmem>>
      %dma_start3A_179 = tpu.memref_squeeze %dma_start3A_178 : memref<1x4x2048xf32, #tpu.memory_space<vmem>> -> memref<4x2048xf32, #tpu.memory_space<vmem>>
      tpu.enqueue_dma source(%dma_start3A_179 : memref<4x2048xf32, #tpu.memory_space<vmem>>) target(%dma_start3A_175 : memref<4x2048xf32, #tpu.memory_space<hbm>>) target_semaphore(%arg7 : memref<!tpu.dma_semaphore, #tpu.memory_space<semaphore_mem>>)
      %slice3A_180 = vector.extract_strided_slice %get3A_21 {offsets = [7], sizes = [1], strides = [1]} : vector<16xi32> to vector<1xi32>
      %squeeze3A_181 = vector.extract %slice3A_180[0] : i32 from vector<1xi32>
      %mul3A_182 = arith.constant 16 : i32
      %mul3A_183 = arith.muli %scan3A_16, %mul3A_182 : i32
      %add3A_184 = arith.addi %mul3A_2, %mul3A_183 : i32
      %add3A_185 = arith.constant 7 : i32
      %add3A_186 = arith.addi %add3A_184, %add3A_185 : i32
      %dma_start3A_187 = arith.constant 0 : i32
      %dma_start3A_188 = arith.constant 0 : i32
      %dma_start3A_189 = tpu.memref_slice %arg5[%squeeze3A_181, %dma_start3A_187, %dma_start3A_188] : memref<4x4x2048xf32, #tpu.memory_space<vmem>> -> memref<1x4x2048xf32, #tpu.memory_space<vmem>>
      %dma_start3A_190 = tpu.memref_squeeze %dma_start3A_189 : memref<1x4x2048xf32, #tpu.memory_space<vmem>> -> memref<4x2048xf32, #tpu.memory_space<vmem>>
      %dma_start3A_191 = arith.constant 0 : i32
      %dma_start3A_192 = arith.constant 0 : i32
      %dma_start3A_193 = tpu.memref_slice %arg4[%add3A_186, %dma_start3A_191, %dma_start3A_192] : memref<16384x4x2048xf32, #tpu.memory_space<hbm>> -> memref<1x4x2048xf32, #tpu.memory_space<hbm>>
      %dma_start3A_194 = tpu.memref_squeeze %dma_start3A_193 : memref<1x4x2048xf32, #tpu.memory_space<hbm>> -> memref<4x2048xf32, #tpu.memory_space<hbm>>
      %dma_start3A_195 = arith.constant 0 : i32
      %dma_start3A_196 = arith.constant 0 : i32
      %dma_start3A_197 = tpu.memref_slice %arg4[%add3A_186, %dma_start3A_195, %dma_start3A_196] : memref<16384x4x2048xf32, #tpu.memory_space<hbm>> -> memref<1x4x2048xf32, #tpu.memory_space<hbm>>
      %dma_start3A_198 = tpu.memref_squeeze %dma_start3A_197 : memref<1x4x2048xf32, #tpu.memory_space<hbm>> -> memref<4x2048xf32, #tpu.memory_space<hbm>>
      %dma_start3A_199 = arith.constant 0 : i32
      %dma_start3A_200 = arith.constant 0 : i32
      %dma_start3A_201 = tpu.memref_slice %arg5[%squeeze3A_181, %dma_start3A_199, %dma_start3A_200] : memref<4x4x2048xf32, #tpu.memory_space<vmem>> -> memref<1x4x2048xf32, #tpu.memory_space<vmem>>
      %dma_start3A_202 = tpu.memref_squeeze %dma_start3A_201 : memref<1x4x2048xf32, #tpu.memory_space<vmem>> -> memref<4x2048xf32, #tpu.memory_space<vmem>>
      tpu.enqueue_dma source(%dma_start3A_202 : memref<4x2048xf32, #tpu.memory_space<vmem>>) target(%dma_start3A_198 : memref<4x2048xf32, #tpu.memory_space<hbm>>) target_semaphore(%arg7 : memref<!tpu.dma_semaphore, #tpu.memory_space<semaphore_mem>>)
      %slice3A_203 = vector.extract_strided_slice %get3A_21 {offsets = [8], sizes = [1], strides = [1]} : vector<16xi32> to vector<1xi32>
      %squeeze3A_204 = vector.extract %slice3A_203[0] : i32 from vector<1xi32>
      %mul3A_205 = arith.constant 16 : i32
      %mul3A_206 = arith.muli %scan3A_16, %mul3A_205 : i32
      %add3A_207 = arith.addi %mul3A_2, %mul3A_206 : i32
      %add3A_208 = arith.constant 8 : i32
      %add3A_209 = arith.addi %add3A_207, %add3A_208 : i32
      %dma_start3A_210 = arith.constant 0 : i32
      %dma_start3A_211 = arith.constant 0 : i32
      %dma_start3A_212 = tpu.memref_slice %arg5[%squeeze3A_204, %dma_start3A_210, %dma_start3A_211] : memref<4x4x2048xf32, #tpu.memory_space<vmem>> -> memref<1x4x2048xf32, #tpu.memory_space<vmem>>
      %dma_start3A_213 = tpu.memref_squeeze %dma_start3A_212 : memref<1x4x2048xf32, #tpu.memory_space<vmem>> -> memref<4x2048xf32, #tpu.memory_space<vmem>>
      %dma_start3A_214 = arith.constant 0 : i32
      %dma_start3A_215 = arith.constant 0 : i32
      %dma_start3A_216 = tpu.memref_slice %arg4[%add3A_209, %dma_start3A_214, %dma_start3A_215] : memref<16384x4x2048xf32, #tpu.memory_space<hbm>> -> memref<1x4x2048xf32, #tpu.memory_space<hbm>>
      %dma_start3A_217 = tpu.memref_squeeze %dma_start3A_216 : memref<1x4x2048xf32, #tpu.memory_space<hbm>> -> memref<4x2048xf32, #tpu.memory_space<hbm>>
      %dma_start3A_218 = arith.constant 0 : i32
      %dma_start3A_219 = arith.constant 0 : i32
      %dma_start3A_220 = tpu.memref_slice %arg4[%add3A_209, %dma_start3A_218, %dma_start3A_219] : memref<16384x4x2048xf32, #tpu.memory_space<hbm>> -> memref<1x4x2048xf32, #tpu.memory_space<hbm>>
      %dma_start3A_221 = tpu.memref_squeeze %dma_start3A_220 : memref<1x4x2048xf32, #tpu.memory_space<hbm>> -> memref<4x2048xf32, #tpu.memory_space<hbm>>
      %dma_start3A_222 = arith.constant 0 : i32
      %dma_start3A_223 = arith.constant 0 : i32
      %dma_start3A_224 = tpu.memref_slice %arg5[%squeeze3A_204, %dma_start3A_222, %dma_start3A_223] : memref<4x4x2048xf32, #tpu.memory_space<vmem>> -> memref<1x4x2048xf32, #tpu.memory_space<vmem>>
      %dma_start3A_225 = tpu.memref_squeeze %dma_start3A_224 : memref<1x4x2048xf32, #tpu.memory_space<vmem>> -> memref<4x2048xf32, #tpu.memory_space<vmem>>
      tpu.enqueue_dma source(%dma_start3A_225 : memref<4x2048xf32, #tpu.memory_space<vmem>>) target(%dma_start3A_221 : memref<4x2048xf32, #tpu.memory_space<hbm>>) target_semaphore(%arg7 : memref<!tpu.dma_semaphore, #tpu.memory_space<semaphore_mem>>)
      %slice3A_226 = vector.extract_strided_slice %get3A_21 {offsets = [9], sizes = [1], strides = [1]} : vector<16xi32> to vector<1xi32>
      %squeeze3A_227 = vector.extract %slice3A_226[0] : i32 from vector<1xi32>
      %mul3A_228 = arith.constant 16 : i32
      %mul3A_229 = arith.muli %scan3A_16, %mul3A_228 : i32
      %add3A_230 = arith.addi %mul3A_2, %mul3A_229 : i32
      %add3A_231 = arith.constant 9 : i32
      %add3A_232 = arith.addi %add3A_230, %add3A_231 : i32
      %dma_start3A_233 = arith.constant 0 : i32
      %dma_start3A_234 = arith.constant 0 : i32
      %dma_start3A_235 = tpu.memref_slice %arg5[%squeeze3A_227, %dma_start3A_233, %dma_start3A_234] : memref<4x4x2048xf32, #tpu.memory_space<vmem>> -> memref<1x4x2048xf32, #tpu.memory_space<vmem>>
      %dma_start3A_236 = tpu.memref_squeeze %dma_start3A_235 : memref<1x4x2048xf32, #tpu.memory_space<vmem>> -> memref<4x2048xf32, #tpu.memory_space<vmem>>
      %dma_start3A_237 = arith.constant 0 : i32
      %dma_start3A_238 = arith.constant 0 : i32
      %dma_start3A_239 = tpu.memref_slice %arg4[%add3A_232, %dma_start3A_237, %dma_start3A_238] : memref<16384x4x2048xf32, #tpu.memory_space<hbm>> -> memref<1x4x2048xf32, #tpu.memory_space<hbm>>
      %dma_start3A_240 = tpu.memref_squeeze %dma_start3A_239 : memref<1x4x2048xf32, #tpu.memory_space<hbm>> -> memref<4x2048xf32, #tpu.memory_space<hbm>>
      %dma_start3A_241 = arith.constant 0 : i32
      %dma_start3A_242 = arith.constant 0 : i32
      %dma_start3A_243 = tpu.memref_slice %arg4[%add3A_232, %dma_start3A_241, %dma_start3A_242] : memref<16384x4x2048xf32, #tpu.memory_space<hbm>> -> memref<1x4x2048xf32, #tpu.memory_space<hbm>>
      %dma_start3A_244 = tpu.memref_squeeze %dma_start3A_243 : memref<1x4x2048xf32, #tpu.memory_space<hbm>> -> memref<4x2048xf32, #tpu.memory_space<hbm>>
      %dma_start3A_245 = arith.constant 0 : i32
      %dma_start3A_246 = arith.constant 0 : i32
      %dma_start3A_247 = tpu.memref_slice %arg5[%squeeze3A_227, %dma_start3A_245, %dma_start3A_246] : memref<4x4x2048xf32, #tpu.memory_space<vmem>> -> memref<1x4x2048xf32, #tpu.memory_space<vmem>>
      %dma_start3A_248 = tpu.memref_squeeze %dma_start3A_247 : memref<1x4x2048xf32, #tpu.memory_space<vmem>> -> memref<4x2048xf32, #tpu.memory_space<vmem>>
      tpu.enqueue_dma source(%dma_start3A_248 : memref<4x2048xf32, #tpu.memory_space<vmem>>) target(%dma_start3A_244 : memref<4x2048xf32, #tpu.memory_space<hbm>>) target_semaphore(%arg7 : memref<!tpu.dma_semaphore, #tpu.memory_space<semaphore_mem>>)
      %slice3A_249 = vector.extract_strided_slice %get3A_21 {offsets = [10], sizes = [1], strides = [1]} : vector<16xi32> to vector<1xi32>
      %squeeze3A_250 = vector.extract %slice3A_249[0] : i32 from vector<1xi32>
      %mul3A_251 = arith.constant 16 : i32
      %mul3A_252 = arith.muli %scan3A_16, %mul3A_251 : i32
      %add3A_253 = arith.addi %mul3A_2, %mul3A_252 : i32
      %add3A_254 = arith.constant 10 : i32
      %add3A_255 = arith.addi %add3A_253, %add3A_254 : i32
      %dma_start3A_256 = arith.constant 0 : i32
      %dma_start3A_257 = arith.constant 0 : i32
      %dma_start3A_258 = tpu.memref_slice %arg5[%squeeze3A_250, %dma_start3A_256, %dma_start3A_257] : memref<4x4x2048xf32, #tpu.memory_space<vmem>> -> memref<1x4x2048xf32, #tpu.memory_space<vmem>>
      %dma_start3A_259 = tpu.memref_squeeze %dma_start3A_258 : memref<1x4x2048xf32, #tpu.memory_space<vmem>> -> memref<4x2048xf32, #tpu.memory_space<vmem>>
      %dma_start3A_260 = arith.constant 0 : i32
      %dma_start3A_261 = arith.constant 0 : i32
      %dma_start3A_262 = tpu.memref_slice %arg4[%add3A_255, %dma_start3A_260, %dma_start3A_261] : memref<16384x4x2048xf32, #tpu.memory_space<hbm>> -> memref<1x4x2048xf32, #tpu.memory_space<hbm>>
      %dma_start3A_263 = tpu.memref_squeeze %dma_start3A_262 : memref<1x4x2048xf32, #tpu.memory_space<hbm>> -> memref<4x2048xf32, #tpu.memory_space<hbm>>
      %dma_start3A_264 = arith.constant 0 : i32
      %dma_start3A_265 = arith.constant 0 : i32
      %dma_start3A_266 = tpu.memref_slice %arg4[%add3A_255, %dma_start3A_264, %dma_start3A_265] : memref<16384x4x2048xf32, #tpu.memory_space<hbm>> -> memref<1x4x2048xf32, #tpu.memory_space<hbm>>
      %dma_start3A_267 = tpu.memref_squeeze %dma_start3A_266 : memref<1x4x2048xf32, #tpu.memory_space<hbm>> -> memref<4x2048xf32, #tpu.memory_space<hbm>>
      %dma_start3A_268 = arith.constant 0 : i32
      %dma_start3A_269 = arith.constant 0 : i32
      %dma_start3A_270 = tpu.memref_slice %arg5[%squeeze3A_250, %dma_start3A_268, %dma_start3A_269] : memref<4x4x2048xf32, #tpu.memory_space<vmem>> -> memref<1x4x2048xf32, #tpu.memory_space<vmem>>
      %dma_start3A_271 = tpu.memref_squeeze %dma_start3A_270 : memref<1x4x2048xf32, #tpu.memory_space<vmem>> -> memref<4x2048xf32, #tpu.memory_space<vmem>>
      tpu.enqueue_dma source(%dma_start3A_271 : memref<4x2048xf32, #tpu.memory_space<vmem>>) target(%dma_start3A_267 : memref<4x2048xf32, #tpu.memory_space<hbm>>) target_semaphore(%arg7 : memref<!tpu.dma_semaphore, #tpu.memory_space<semaphore_mem>>)
      %slice3A_272 = vector.extract_strided_slice %get3A_21 {offsets = [11], sizes = [1], strides = [1]} : vector<16xi32> to vector<1xi32>
      %squeeze3A_273 = vector.extract %slice3A_272[0] : i32 from vector<1xi32>
      %mul3A_274 = arith.constant 16 : i32
      %mul3A_275 = arith.muli %scan3A_16, %mul3A_274 : i32
      %add3A_276 = arith.addi %mul3A_2, %mul3A_275 : i32
      %add3A_277 = arith.constant 11 : i32
      %add3A_278 = arith.addi %add3A_276, %add3A_277 : i32
      %dma_start3A_279 = arith.constant 0 : i32
      %dma_start3A_280 = arith.constant 0 : i32
      %dma_start3A_281 = tpu.memref_slice %arg5[%squeeze3A_273, %dma_start3A_279, %dma_start3A_280] : memref<4x4x2048xf32, #tpu.memory_space<vmem>> -> memref<1x4x2048xf32, #tpu.memory_space<vmem>>
      %dma_start3A_282 = tpu.memref_squeeze %dma_start3A_281 : memref<1x4x2048xf32, #tpu.memory_space<vmem>> -> memref<4x2048xf32, #tpu.memory_space<vmem>>
      %dma_start3A_283 = arith.constant 0 : i32
      %dma_start3A_284 = arith.constant 0 : i32
      %dma_start3A_285 = tpu.memref_slice %arg4[%add3A_278, %dma_start3A_283, %dma_start3A_284] : memref<16384x4x2048xf32, #tpu.memory_space<hbm>> -> memref<1x4x2048xf32, #tpu.memory_space<hbm>>
      %dma_start3A_286 = tpu.memref_squeeze %dma_start3A_285 : memref<1x4x2048xf32, #tpu.memory_space<hbm>> -> memref<4x2048xf32, #tpu.memory_space<hbm>>
      %dma_start3A_287 = arith.constant 0 : i32
      %dma_start3A_288 = arith.constant 0 : i32
      %dma_start3A_289 = tpu.memref_slice %arg4[%add3A_278, %dma_start3A_287, %dma_start3A_288] : memref<16384x4x2048xf32, #tpu.memory_space<hbm>> -> memref<1x4x2048xf32, #tpu.memory_space<hbm>>
      %dma_start3A_290 = tpu.memref_squeeze %dma_start3A_289 : memref<1x4x2048xf32, #tpu.memory_space<hbm>> -> memref<4x2048xf32, #tpu.memory_space<hbm>>
      %dma_start3A_291 = arith.constant 0 : i32
      %dma_start3A_292 = arith.constant 0 : i32
      %dma_start3A_293 = tpu.memref_slice %arg5[%squeeze3A_273, %dma_start3A_291, %dma_start3A_292] : memref<4x4x2048xf32, #tpu.memory_space<vmem>> -> memref<1x4x2048xf32, #tpu.memory_space<vmem>>
      %dma_start3A_294 = tpu.memref_squeeze %dma_start3A_293 : memref<1x4x2048xf32, #tpu.memory_space<vmem>> -> memref<4x2048xf32, #tpu.memory_space<vmem>>
      tpu.enqueue_dma source(%dma_start3A_294 : memref<4x2048xf32, #tpu.memory_space<vmem>>) target(%dma_start3A_290 : memref<4x2048xf32, #tpu.memory_space<hbm>>) target_semaphore(%arg7 : memref<!tpu.dma_semaphore, #tpu.memory_space<semaphore_mem>>)
      %slice3A_295 = vector.extract_strided_slice %get3A_21 {offsets = [12], sizes = [1], strides = [1]} : vector<16xi32> to vector<1xi32>
      %squeeze3A_296 = vector.extract %slice3A_295[0] : i32 from vector<1xi32>
      %mul3A_297 = arith.constant 16 : i32
      %mul3A_298 = arith.muli %scan3A_16, %mul3A_297 : i32
      %add3A_299 = arith.addi %mul3A_2, %mul3A_298 : i32
      %add3A_300 = arith.constant 12 : i32
      %add3A_301 = arith.addi %add3A_299, %add3A_300 : i32
      %dma_start3A_302 = arith.constant 0 : i32
      %dma_start3A_303 = arith.constant 0 : i32
      %dma_start3A_304 = tpu.memref_slice %arg5[%squeeze3A_296, %dma_start3A_302, %dma_start3A_303] : memref<4x4x2048xf32, #tpu.memory_space<vmem>> -> memref<1x4x2048xf32, #tpu.memory_space<vmem>>
      %dma_start3A_305 = tpu.memref_squeeze %dma_start3A_304 : memref<1x4x2048xf32, #tpu.memory_space<vmem>> -> memref<4x2048xf32, #tpu.memory_space<vmem>>
      %dma_start3A_306 = arith.constant 0 : i32
      %dma_start3A_307 = arith.constant 0 : i32
      %dma_start3A_308 = tpu.memref_slice %arg4[%add3A_301, %dma_start3A_306, %dma_start3A_307] : memref<16384x4x2048xf32, #tpu.memory_space<hbm>> -> memref<1x4x2048xf32, #tpu.memory_space<hbm>>
      %dma_start3A_309 = tpu.memref_squeeze %dma_start3A_308 : memref<1x4x2048xf32, #tpu.memory_space<hbm>> -> memref<4x2048xf32, #tpu.memory_space<hbm>>
      %dma_start3A_310 = arith.constant 0 : i32
      %dma_start3A_311 = arith.constant 0 : i32
      %dma_start3A_312 = tpu.memref_slice %arg4[%add3A_301, %dma_start3A_310, %dma_start3A_311] : memref<16384x4x2048xf32, #tpu.memory_space<hbm>> -> memref<1x4x2048xf32, #tpu.memory_space<hbm>>
      %dma_start3A_313 = tpu.memref_squeeze %dma_start3A_312 : memref<1x4x2048xf32, #tpu.memory_space<hbm>> -> memref<4x2048xf32, #tpu.memory_space<hbm>>
      %dma_start3A_314 = arith.constant 0 : i32
      %dma_start3A_315 = arith.constant 0 : i32
      %dma_start3A_316 = tpu.memref_slice %arg5[%squeeze3A_296, %dma_start3A_314, %dma_start3A_315] : memref<4x4x2048xf32, #tpu.memory_space<vmem>> -> memref<1x4x2048xf32, #tpu.memory_space<vmem>>
      %dma_start3A_317 = tpu.memref_squeeze %dma_start3A_316 : memref<1x4x2048xf32, #tpu.memory_space<vmem>> -> memref<4x2048xf32, #tpu.memory_space<vmem>>
      tpu.enqueue_dma source(%dma_start3A_317 : memref<4x2048xf32, #tpu.memory_space<vmem>>) target(%dma_start3A_313 : memref<4x2048xf32, #tpu.memory_space<hbm>>) target_semaphore(%arg7 : memref<!tpu.dma_semaphore, #tpu.memory_space<semaphore_mem>>)
      %slice3A_318 = vector.extract_strided_slice %get3A_21 {offsets = [13], sizes = [1], strides = [1]} : vector<16xi32> to vector<1xi32>
      %squeeze3A_319 = vector.extract %slice3A_318[0] : i32 from vector<1xi32>
      %mul3A_320 = arith.constant 16 : i32
      %mul3A_321 = arith.muli %scan3A_16, %mul3A_320 : i32
      %add3A_322 = arith.addi %mul3A_2, %mul3A_321 : i32
      %add3A_323 = arith.constant 13 : i32
      %add3A_324 = arith.addi %add3A_322, %add3A_323 : i32
      %dma_start3A_325 = arith.constant 0 : i32
      %dma_start3A_326 = arith.constant 0 : i32
      %dma_start3A_327 = tpu.memref_slice %arg5[%squeeze3A_319, %dma_start3A_325, %dma_start3A_326] : memref<4x4x2048xf32, #tpu.memory_space<vmem>> -> memref<1x4x2048xf32, #tpu.memory_space<vmem>>
      %dma_start3A_328 = tpu.memref_squeeze %dma_start3A_327 : memref<1x4x2048xf32, #tpu.memory_space<vmem>> -> memref<4x2048xf32, #tpu.memory_space<vmem>>
      %dma_start3A_329 = arith.constant 0 : i32
      %dma_start3A_330 = arith.constant 0 : i32
      %dma_start3A_331 = tpu.memref_slice %arg4[%add3A_324, %dma_start3A_329, %dma_start3A_330] : memref<16384x4x2048xf32, #tpu.memory_space<hbm>> -> memref<1x4x2048xf32, #tpu.memory_space<hbm>>
      %dma_start3A_332 = tpu.memref_squeeze %dma_start3A_331 : memref<1x4x2048xf32, #tpu.memory_space<hbm>> -> memref<4x2048xf32, #tpu.memory_space<hbm>>
      %dma_start3A_333 = arith.constant 0 : i32
      %dma_start3A_334 = arith.constant 0 : i32
      %dma_start3A_335 = tpu.memref_slice %arg4[%add3A_324, %dma_start3A_333, %dma_start3A_334] : memref<16384x4x2048xf32, #tpu.memory_space<hbm>> -> memref<1x4x2048xf32, #tpu.memory_space<hbm>>
      %dma_start3A_336 = tpu.memref_squeeze %dma_start3A_335 : memref<1x4x2048xf32, #tpu.memory_space<hbm>> -> memref<4x2048xf32, #tpu.memory_space<hbm>>
      %dma_start3A_337 = arith.constant 0 : i32
      %dma_start3A_338 = arith.constant 0 : i32
      %dma_start3A_339 = tpu.memref_slice %arg5[%squeeze3A_319, %dma_start3A_337, %dma_start3A_338] : memref<4x4x2048xf32, #tpu.memory_space<vmem>> -> memref<1x4x2048xf32, #tpu.memory_space<vmem>>
      %dma_start3A_340 = tpu.memref_squeeze %dma_start3A_339 : memref<1x4x2048xf32, #tpu.memory_space<vmem>> -> memref<4x2048xf32, #tpu.memory_space<vmem>>
      tpu.enqueue_dma source(%dma_start3A_340 : memref<4x2048xf32, #tpu.memory_space<vmem>>) target(%dma_start3A_336 : memref<4x2048xf32, #tpu.memory_space<hbm>>) target_semaphore(%arg7 : memref<!tpu.dma_semaphore, #tpu.memory_space<semaphore_mem>>)
      %slice3A_341 = vector.extract_strided_slice %get3A_21 {offsets = [14], sizes = [1], strides = [1]} : vector<16xi32> to vector<1xi32>
      %squeeze3A_342 = vector.extract %slice3A_341[0] : i32 from vector<1xi32>
      %mul3A_343 = arith.constant 16 : i32
      %mul3A_344 = arith.muli %scan3A_16, %mul3A_343 : i32
      %add3A_345 = arith.addi %mul3A_2, %mul3A_344 : i32
      %add3A_346 = arith.constant 14 : i32
      %add3A_347 = arith.addi %add3A_345, %add3A_346 : i32
      %dma_start3A_348 = arith.constant 0 : i32
      %dma_start3A_349 = arith.constant 0 : i32
      %dma_start3A_350 = tpu.memref_slice %arg5[%squeeze3A_342, %dma_start3A_348, %dma_start3A_349] : memref<4x4x2048xf32, #tpu.memory_space<vmem>> -> memref<1x4x2048xf32, #tpu.memory_space<vmem>>
      %dma_start3A_351 = tpu.memref_squeeze %dma_start3A_350 : memref<1x4x2048xf32, #tpu.memory_space<vmem>> -> memref<4x2048xf32, #tpu.memory_space<vmem>>
      %dma_start3A_352 = arith.constant 0 : i32
      %dma_start3A_353 = arith.constant 0 : i32
      %dma_start3A_354 = tpu.memref_slice %arg4[%add3A_347, %dma_start3A_352, %dma_start3A_353] : memref<16384x4x2048xf32, #tpu.memory_space<hbm>> -> memref<1x4x2048xf32, #tpu.memory_space<hbm>>
      %dma_start3A_355 = tpu.memref_squeeze %dma_start3A_354 : memref<1x4x2048xf32, #tpu.memory_space<hbm>> -> memref<4x2048xf32, #tpu.memory_space<hbm>>
      %dma_start3A_356 = arith.constant 0 : i32
      %dma_start3A_357 = arith.constant 0 : i32
      %dma_start3A_358 = tpu.memref_slice %arg4[%add3A_347, %dma_start3A_356, %dma_start3A_357] : memref<16384x4x2048xf32, #tpu.memory_space<hbm>> -> memref<1x4x2048xf32, #tpu.memory_space<hbm>>
      %dma_start3A_359 = tpu.memref_squeeze %dma_start3A_358 : memref<1x4x2048xf32, #tpu.memory_space<hbm>> -> memref<4x2048xf32, #tpu.memory_space<hbm>>
      %dma_start3A_360 = arith.constant 0 : i32
      %dma_start3A_361 = arith.constant 0 : i32
      %dma_start3A_362 = tpu.memref_slice %arg5[%squeeze3A_342, %dma_start3A_360, %dma_start3A_361] : memref<4x4x2048xf32, #tpu.memory_space<vmem>> -> memref<1x4x2048xf32, #tpu.memory_space<vmem>>
      %dma_start3A_363 = tpu.memref_squeeze %dma_start3A_362 : memref<1x4x2048xf32, #tpu.memory_space<vmem>> -> memref<4x2048xf32, #tpu.memory_space<vmem>>
      tpu.enqueue_dma source(%dma_start3A_363 : memref<4x2048xf32, #tpu.memory_space<vmem>>) target(%dma_start3A_359 : memref<4x2048xf32, #tpu.memory_space<hbm>>) target_semaphore(%arg7 : memref<!tpu.dma_semaphore, #tpu.memory_space<semaphore_mem>>)
      %slice3A_364 = vector.extract_strided_slice %get3A_21 {offsets = [15], sizes = [1], strides = [1]} : vector<16xi32> to vector<1xi32>
      %squeeze3A_365 = vector.extract %slice3A_364[0] : i32 from vector<1xi32>
      %mul3A_366 = arith.constant 16 : i32
      %mul3A_367 = arith.muli %scan3A_16, %mul3A_366 : i32
      %add3A_368 = arith.addi %mul3A_2, %mul3A_367 : i32
      %add3A_369 = arith.constant 15 : i32
      %add3A_370 = arith.addi %add3A_368, %add3A_369 : i32
      %dma_start3A_371 = arith.constant 0 : i32
      %dma_start3A_372 = arith.constant 0 : i32
      %dma_start3A_373 = tpu.memref_slice %arg5[%squeeze3A_365, %dma_start3A_371, %dma_start3A_372] : memref<4x4x2048xf32, #tpu.memory_space<vmem>> -> memref<1x4x2048xf32, #tpu.memory_space<vmem>>
      %dma_start3A_374 = tpu.memref_squeeze %dma_start3A_373 : memref<1x4x2048xf32, #tpu.memory_space<vmem>> -> memref<4x2048xf32, #tpu.memory_space<vmem>>
      %dma_start3A_375 = arith.constant 0 : i32
      %dma_start3A_376 = arith.constant 0 : i32
      %dma_start3A_377 = tpu.memref_slice %arg4[%add3A_370, %dma_start3A_375, %dma_start3A_376] : memref<16384x4x2048xf32, #tpu.memory_space<hbm>> -> memref<1x4x2048xf32, #tpu.memory_space<hbm>>
      %dma_start3A_378 = tpu.memref_squeeze %dma_start3A_377 : memref<1x4x2048xf32, #tpu.memory_space<hbm>> -> memref<4x2048xf32, #tpu.memory_space<hbm>>
      %dma_start3A_379 = arith.constant 0 : i32
      %dma_start3A_380 = arith.constant 0 : i32
      %dma_start3A_381 = tpu.memref_slice %arg4[%add3A_370, %dma_start3A_379, %dma_start3A_380] : memref<16384x4x2048xf32, #tpu.memory_space<hbm>> -> memref<1x4x2048xf32, #tpu.memory_space<hbm>>
      %dma_start3A_382 = tpu.memref_squeeze %dma_start3A_381 : memref<1x4x2048xf32, #tpu.memory_space<hbm>> -> memref<4x2048xf32, #tpu.memory_space<hbm>>
      %dma_start3A_383 = arith.constant 0 : i32
      %dma_start3A_384 = arith.constant 0 : i32
      %dma_start3A_385 = tpu.memref_slice %arg5[%squeeze3A_365, %dma_start3A_383, %dma_start3A_384] : memref<4x4x2048xf32, #tpu.memory_space<vmem>> -> memref<1x4x2048xf32, #tpu.memory_space<vmem>>
      %dma_start3A_386 = tpu.memref_squeeze %dma_start3A_385 : memref<1x4x2048xf32, #tpu.memory_space<vmem>> -> memref<4x2048xf32, #tpu.memory_space<vmem>>
      tpu.enqueue_dma source(%dma_start3A_386 : memref<4x2048xf32, #tpu.memory_space<vmem>>) target(%dma_start3A_382 : memref<4x2048xf32, #tpu.memory_space<hbm>>) target_semaphore(%arg7 : memref<!tpu.dma_semaphore, #tpu.memory_space<semaphore_mem>>)
      %scan3A_387 = arith.constant 0 : i32
      scf.yield %scan3A_387 : i32
    }
    %scan3A_8 = arith.constant 32 : i32
    %scan3A_9 = arith.constant 0 : i32
    %scan3A_10 = arith.constant 0 : i32
    %scan3A_11 = arith.constant 512 : i32
    %scan3A_12 = arith.addi %scan3A_10, %scan3A_11 : i32
    %scan3A_13 = arith.constant 1 : i32
    %scan3A_14 = scf.for %scan3A_16 = %scan3A_10 to %scan3A_12 step %scan3A_13 iter_args(%scan3A_17 = %scan3A_9) -> (i32)  : i32 {
      %dma_wait3A = arith.constant 0 : i32
      %dma_wait3A_18 = arith.constant 0 : i32
      %dma_wait3A_19 = arith.constant 0 : i32
      %dma_wait3A_20 = tpu.memref_slice %arg5[%dma_wait3A, %dma_wait3A_18, %dma_wait3A_19] : memref<4x4x2048xf32, #tpu.memory_space<vmem>> -> memref<1x4x2048xf32, #tpu.memory_space<vmem>>
      %dma_wait3A_21 = tpu.memref_squeeze %dma_wait3A_20 : memref<1x4x2048xf32, #tpu.memory_space<vmem>> -> memref<4x2048xf32, #tpu.memory_space<vmem>>
      %dma_wait3A_22 = arith.constant 0 : i32
      %dma_wait3A_23 = arith.constant 0 : i32
      %dma_wait3A_24 = tpu.memref_slice %arg4[%mul3A_2, %dma_wait3A_22, %dma_wait3A_23] : memref<16384x4x2048xf32, #tpu.memory_space<hbm>> -> memref<1x4x2048xf32, #tpu.memory_space<hbm>>
      %dma_wait3A_25 = tpu.memref_squeeze %dma_wait3A_24 : memref<1x4x2048xf32, #tpu.memory_space<hbm>> -> memref<4x2048xf32, #tpu.memory_space<hbm>>
      %dma_wait3A_26 = arith.constant 0 : i32
      %dma_wait3A_27 = arith.constant 0 : i32
      %dma_wait3A_28 = tpu.memref_slice %arg4[%mul3A_2, %dma_wait3A_26, %dma_wait3A_27] : memref<16384x4x2048xf32, #tpu.memory_space<hbm>> -> memref<1x4x2048xf32, #tpu.memory_space<hbm>>
      %dma_wait3A_29 = tpu.memref_squeeze %dma_wait3A_28 : memref<1x4x2048xf32, #tpu.memory_space<hbm>> -> memref<4x2048xf32, #tpu.memory_space<hbm>>
      %dma_wait3A_30 = arith.constant 0 : i32
      %dma_wait3A_31 = arith.constant 0 : i32
      %dma_wait3A_32 = tpu.memref_slice %arg5[%dma_wait3A, %dma_wait3A_30, %dma_wait3A_31] : memref<4x4x2048xf32, #tpu.memory_space<vmem>> -> memref<1x4x2048xf32, #tpu.memory_space<vmem>>
      %dma_wait3A_33 = tpu.memref_squeeze %dma_wait3A_32 : memref<1x4x2048xf32, #tpu.memory_space<vmem>> -> memref<4x2048xf32, #tpu.memory_space<vmem>>
      tpu.wait_dma2 semaphore(%arg7 : memref<!tpu.dma_semaphore, #tpu.memory_space<semaphore_mem>>) src(%dma_wait3A_33 : memref<4x2048xf32, #tpu.memory_space<vmem>>) dst(%dma_wait3A_29 : memref<4x2048xf32, #tpu.memory_space<hbm>>)
      %scan3A_34 = arith.constant 0 : i32
      scf.yield %scan3A_34 : i32
    }
    %scan3A_15 = arith.constant 512 : i32
    return
  }
}

</mosaic_0001>

<sc_bundles>
// kernel: kernel.3.cloned.1.call-start
scs
__scs_entry_jumppad:
0x0: {  	(pc) =	sbr.rel $0x88, $3  }
0x1: {  	(tag) =	ssettag $0x0;
	lr =	simm.s32 $0x1  }
0x2: {  	[smem:$0x3F9F] =	sst lr;
	_ =	strace $0xD0000000  }
0x3: {  	_ = 	snop  }
0x4: {  	_ = 	snop  }
0x5: {  	_ = 	snop  }
0x6: {  	_ = 	snop  }
0x7: {  	_ = 	snop  }
__scs_overlays_trampoline_lowered:
0x8: {  	[smem:$0x3FAE] =	sst s0  }
0x9: {  	[smem:$0x3FAF] =	sst s1  }
0xa: {  	[smem:$0x3FB0] =	sst s2  }
0xb: {  	[smem:$0x3FB1] =	sst s3  }
0xc: {  	[smem:$0x3FB2] =	sst s4  }
0xd: {  	[smem:$0x3FB3] =	sst s5  }
0xe: {  	[smem:$0x3FB4] =	sst s6  }
0xf: {  	[smem:$0x3FB5] =	sst s7  }
0x10: {  	[smem:$0x3FB6] =	sst s8  }
0x11: {  	[smem:$0x3FB7] =	sst s9;
	s0 =	simm.s32 @!p0 $0x0  }
0x12: {  	s1 =	sld [smem:$0x3F9D];
	s0 =	simm.s32 @p0 $0x1  }
0x13: {  	[smem:$0x3FB8] =	sst s0;
	s0 =	simm.s32 @!p1 $0x0  }
0x14: {  	s2 =	sld [smem:$0x3F9C];
	s0 =	simm.s32 @p1 $0x1  }
0x15: {  	[smem:$0x3FB9] =	sst s0;
	s0 =	simm.s32 @!p2 $0x0  }
0x16: {  	s3 =	sld [smem:$0x3FDB];
	s0 =	simm.s32 @p2 $0x1  }
0x17: {  	s4 =	simm.s32 $0x1BF5;
	[smem:$0x3FBB] =	sst s0  }
0x18: {  	s0 =	sld [smem:$0x3F9E];
	_ =	swait.ge [sflag:s4], $0x0  }
0x19: {  	s7 =	sld [smem:$0x3F9F]  }
0x1a: {  	s8 =	sadd.s32 $0xFFFFE003, lr  }
0x1b: {  	s9 =	sadd.s32 $0xFFFFFEF7, lr;
	s5 =	simm.s32 $0xFFFFFFFF;
	p2 =	slt.u32 s8, $0xFFFFF086  }
0x1c: {  	p1 =	slt.u32 s9, $0xF7A;
	s5 =	simm.s32 @!p2 $0x0  }
0x1d: {  	s5 =	simm.s32 @p1 $0x1;
	p0 =	seq.s32 s7, s2  }
0x1e: {  	s7 =	smul.u32 @!p0 $0xF7A, s2;
	p2 =	seq.s32 @!p0 s5, $0x0  }
0x1f: {  	s9 =	smul.u32 $0xF7A, s1;
	s8 =	simm.s32 @!p0 $0x1BF5;
	p2 =	por !p2, p0  }
0x20: {  	[sflag:s8] =	ssyncset.s32 @!p0 $0xFFFFF086;
	s6 =	sadd.s32 @!p0 s3, s7;
	s7 =	simm.s32 @!p0 $0x108  }
0x21: {  	s3 =	sadd.s32 s3, s9;
	s6 =	sadd.s32 @!p0 $0x88, s6;
	s7 =	simm.s32 @p2 $0x1082  }
0x22: {  	[simem:s7], [sflag:s8] =	dma.local @!p0 [hbm:s6], $0xF7A  }
0x23: {  	s9 =	sor.u32 $0xD0000000, s2;
	s6 =	simm.s32 $0x108;
	_ =	swait.ge @!p0 [sflag:s8], $0x0  }
0x24: {  	s3 =	sadd.s32 $0x88, s3;
	s6 =	simm.s32 @!p1 $0x1082;
	[sflag:s4] =	ssyncset.s32 $0xFFFFF086  }
0x25: {  	[simem:s6], [sflag:s4] =	dma.local [hbm:s3], $0xF7A  }
0x26: {  	[smem:$0x3F9F] =	sst s1;
	(tag) =	ssettag s2;
	_ =	strace s9  }
0x27: {  	s1 =	sld [smem:$0x3FAF]  }
0x28: {  	s2 =	sld [smem:$0x3FB0]  }
0x29: {  	s4 =	sld [smem:$0x3FB2]  }
0x2a: {  	p0 =	seq.s32 s5, $0x0;
	s5 =	sld [smem:$0x3FB3]  }
0x2b: {  	s6 =	sld [smem:$0x3FB4]  }
0x2c: {  	s7 =	sld [smem:$0x3FB5]  }
0x2d: {  	s3 =	simm.s32 $0x108;
	s8 =	sld [smem:$0x3FB6]  }
0x2e: {  	s3 =	simm.s32 @!p0 $0x1082;
	s9 =	sld [smem:$0x3FB7]  }
0x2f: {  	lr =	sadd.s32 s0, s3;
	s0 =	sld [smem:$0x3FAE]  }
0x30: {  	s3 =	sld [smem:$0x3FB1]  }
0x31: {  	[smem:$0x3FBA] =	sst s10  }
0x32: {  	s10 =	sld [smem:$0x3FB8];
	_ =	sdelay $0x3  }
0x33: {  	p0 =	seq.s32 s10, $0x1;
	s10 =	sld [smem:$0x3FBA];
	_ =	sdelay $0x3  }
0x34: {  	[smem:$0x3FBA] =	sst s10  }
0x35: {  	s10 =	sld [smem:$0x3FB9];
	_ =	sdelay $0x3  }
0x36: {  	p1 =	seq.s32 s10, $0x1;
	s10 =	sld [smem:$0x3FBA];
	_ =	sdelay $0x3  }
0x37: {  	[smem:$0x3FBA] =	sst s10  }
0x38: {  	s10 =	sld [smem:$0x3FBB]  }
0x39: {  	_ = 	snop;
	(pc) =	sbr.ind lr, $3  }
0x3a: {  	_ = 	snop  }
0x3b: {  	_ = 	snop  }
0x3c: {  	p2 =	seq.s32 s10, $0x1;
	s10 =	sld [smem:$0x3FBA]  }
0x3d: {  	_ =	shalt  }
0x3e: {  	_ =	shalt  }
0x3f: {  	_ =	shalt  }
0x40: {  	_ =	shalt  }
0x41: {  	_ =	shalt  }
0x42: {  	_ =	shalt  }
0x43: {  	_ =	shalt  }
0x44: {  	_ =	shalt  }
0x45: {  	_ =	shalt  }
0x46: {  	_ =	shalt  }
0x47: {  	_ =	shalt  }
0x48: {  	_ =	shalt  }
0x49: {  	_ =	shalt  }
0x4a: {  	_ =	shalt  }
0x4b: {  	_ =	shalt  }
0x4c: {  	_ =	shalt  }
0x4d: {  	_ =	shalt  }
0x4e: {  	_ =	shalt  }
0x4f: {  	_ =	shalt  }
0x50: {  	_ =	shalt  }
0x51: {  	_ =	shalt  }
0x52: {  	_ =	shalt  }
0x53: {  	_ =	shalt  }
0x54: {  	_ =	shalt  }
0x55: {  	_ =	shalt  }
0x56: {  	_ =	shalt  }
0x57: {  	_ =	shalt  }
0x58: {  	_ =	shalt  }
0x59: {  	_ =	shalt  }
0x5a: {  	_ =	shalt  }
0x5b: {  	_ =	shalt  }
0x5c: {  	_ =	shalt  }
0x5d: {  	_ =	shalt  }
0x5e: {  	_ =	shalt  }
0x5f: {  	_ =	shalt  }
0x60: {  	_ =	shalt  }
0x61: {  	_ =	shalt  }
0x62: {  	_ =	shalt  }
0x63: {  	_ =	shalt  }
0x64: {  	_ =	shalt  }
0x65: {  	_ =	shalt  }
0x66: {  	_ =	shalt  }
0x67: {  	_ =	shalt  }
0x68: {  	_ =	shalt  }
0x69: {  	_ =	shalt  }
0x6a: {  	_ =	shalt  }
0x6b: {  	_ =	shalt  }
0x6c: {  	_ =	shalt  }
0x6d: {  	_ =	shalt  }
0x6e: {  	_ =	shalt  }
0x6f: {  	_ =	shalt  }
0x70: {  	_ =	shalt  }
0x71: {  	_ =	shalt  }
0x72: {  	_ =	shalt  }
0x73: {  	_ =	shalt  }
0x74: {  	_ =	shalt  }
0x75: {  	_ =	shalt  }
0x76: {  	_ =	shalt  }
0x77: {  	_ =	shalt  }
0x78: {  	_ =	shalt  }
0x79: {  	_ =	shalt  }
0x7a: {  	_ =	shalt  }
0x7b: {  	_ =	shalt  }
0x7c: {  	_ =	shalt  }
0x7d: {  	_ =	shalt  }
0x7e: {  	_ =	shalt  }
0x7f: {  	_ =	shalt  }
0x80: {  	_ =	shalt  }
0x81: {  	_ =	shalt  }
0x82: {  	_ =	shalt  }
0x83: {  	_ =	shalt  }
0x84: {  	_ =	shalt  }
0x85: {  	_ =	shalt  }
0x86: {  	_ =	shalt  }
0x87: {  	_ =	shalt  }
.Lfunc_end0:
.L_simem_size_0:
called_computation_lowered:
.L_overlay_start_0:
0x88: {  	s2 =	sld [smem:$0x3FD9]  }
0x89: {  	s3 =	sld [smem:$0x3FFE];
	_ =	sdelay $0x1  }
0x8a: {  	s1 =	srdreg.scid  }
0x8b: {  	s0 =	sand.u32 $0x1, s1  }
0x8c: {  	s18 =	sshll.u32 s0, $0xA;
	s2 =	sadd.s32 s3, s2  }
0x8d: {  	s2 =	sadd.s32 s2, s18  }
0x8e: {  	[smem:$0x3FC6] =	sst s2  }
0x8f: {  	_ = 	snop  }
0x90: {  	s2 =	sld [smem:$0x3FC9]  }
0x91: {  	s19 =	sld [smem:$0x3FC8]  }
0x92: {  	s4 =	sld [smem:$0x3FD0];
	(tm) =	ssettm $0x1  }
0x93: {  	s5 =	sld [smem:$0x3FFB];
	_ =	sdelay $0x3  }
0x94: {  	_ =	strace s5  }
0x95: {  	s5 =	sld [smem:$0x3FFC];
	_ =	sdelay $0x3  }
0x96: {  	_ =	strace s5  }
0x97: {  	s5 =	sld [smem:$0x3FFD];
	_ =	sdelay $0x3  }
0x98: {  	_ =	strace s5  }
0x99: {  	_ =	strace $0x8FFFFFFF  }
0x9a: {  	s20 =	sld [smem:$0x3FDB];
	_ =	sdelay $0x1  }
0x9b: {  	s6 =	simm.s32 $_scs_section_size  }
0x9c: {  	s7 =	simm.s32 $_size__tile_overlayer_lowered;
	s8 =	simm.s32 $_tile_overlayer_lowered  }
0x9d: {  	s23 =	simm.s32 $0x1BFF;
	s22 =	sshll.u32 s8, $0x1;
	s5 =	sadd.s32 s6, s20  }
0x9e: {  	s9 =	simm.s32 $0x0;
	s21 =	sshll.u32 s7, $0x1;
	s7 =	sadd.s32 s22, s5  }
0x9f: {  	[timem:s9], [sflag:s23] =	dma.local [hbm:s7], s21  }
0xa0: {  	_ =	swait.ge [sflag:s23], s21  }
0xa1: {  	s6 =	ssub.s32 $0x0, s21;
	[sflag:s23] =	ssyncset.done $0x0  }
0xa2: {  	[sflag:s23] =	ssyncadd.s32 s6;
	_ =	sdelay $0x1  }
0xa3: {  	s24 =	simm.s32 $0x1B8B  }
0xa4: {  	_ =	swait.ge [sflag:s24], $0x1  }
0xa5: {  	[sflag:s24] =	ssyncset.done $0x0  }
0xa6: {  	s25 =	simm.s32 $0x1B8E;
	[sflag:s24] =	ssyncadd.s32 $0xFFFFFFFF  }
0xa7: {  	s26 =	simm.s32 $execute0_lowered;
	[smem:$0x3FD2] =	sst s25  }
0xa8: {  	s6 =	sshll.u32 s26, $0x1;
	_ =	strace $0x80000046;
	[dreg:$0x1] =	wrdreg $0xFFFFFFFF  }
0xa9: {  	s28 =	simm.s32 $_size_execute0_lowered;
	s5 =	sadd.s32 s5, s6;
	[dreg:$0x0] =	wrdreg $0x0  }
0xaa: {  	s6 =	sshll.u32 s28, $0x1;
	[dreg:$0x2] =	wrdreg s5  }
0xab: {  	[dreg:$0x3] =	wrdreg s6  }
0xac: {  	[dreg:$0x4] =	wrdreg $0xC0  }
0xad: {  	_ =	task [dreg:s9], $0x5FFFF  }
0xae: {  	[dreg:$0x1] =	wrdreg $0xFFFFFFFF  }
0xaf: {  	[dreg:$0x0] =	wrdreg $0x60  }
0xb0: {  	[dreg:$0x2] =	wrdreg s2  }
0xb1: {  	[dreg:$0x3] =	wrdreg s19  }
0xb2: {  	[dreg:$0x4] =	wrdreg s4  }
0xb3: {  	[dreg:$0x5] =	wrdreg $0x9  }
0xb4: {  	_ =	task.clear_ibuf [dreg:s9], $0x6FFFF;
	_ =	strace $0x90000046  }
0xb5: {  	s29 =	simm.s32 $0x9;
	_ =	strace $0x80000048  }
0xb6: {  	_ =	swait.ge [sflag:s29], $0x1  }
0xb7: {  	[sflag:s29] =	ssyncadd.s32 $0xFFFFFFFF  }
0xb8: {  	_ =	strace $0x90000048  }
0xb9: {  	_ =	sfence  }
0xba: {  	s30 =	sld [smem:$0x0];
	_ =	sdelay $0x2  }
0xbb: {  	s31 =	sshll.u32 s1, $0xD;
	s1 =	sshrl.u32 s1, $0x2  }
0xbc: {  	s3 =	sand.u32 $0x4000, s31;
	s1 =	sadd.s32 s1, s30  }
0xbd: {  	s0 =	sor.u32 s3, s0;
	s1 =	sshll.u32 s1, $0x11  }
0xbe: {  	s0 =	sor.u32 s1, s0  }
0xbf: {  	s0 =	sadd.s32 $0x8F2B, s0  }
0xc0: {  	[sflag:s0] =	ssyncadd.remote.s32 $0x1  }
0xc1: {  	_ =	sfence.sel $0xFFFF  }
0xc2: {  	[dreg:$0x0] =	wrdreg $0xFFFFFFFF;
	(pc) =	sbr.abs _section_cstart, $3  }
0xc3: {  	[dreg:$0x1] =	wrdreg $0xFFFFFFFF  }
0xc4: {  	_ =	task.clear_ibuf [dreg:s9], $0x2FFFF;
	_ =	strace $0x9FFFFFFF  }
0xc5: {  	(tm) =	ssettm $0x7FFFFFFF  }
tec
execute0_lowered:
.L_overlay_start_1:
0x0: {  	(tag) =	ssettag $0x1  }
0x1: {  	s4 =	rddreg [dreg:$0x0]  }
0x2: {  	s1 =	rddreg [dreg:$0x1]  }
0x3: {  	s5 =	rddreg [dreg:$0x2]  }
0x4: {  	s0 =	rddreg [dreg:$0x3];
	s3 =	simm.s32 $0x0;
	s6 =	srdreg.scid  }
0x5: {  	s2 =	stileid.u32;
	[smem:$0x7FF] =	sst s3;
	s6 =	sand.u32 $0x1, s6  }
0x6: {  	s7 =	sshll.u32 s2, $0xA;
	s30 =	sshll.u32 s2, $0x14;
	_ =	strace $0x80000047  }
0x7: {  	s8 =	sshll.u32 s6, $0x9;
	s9 =	ssub.s32 $0x2, s6;
	s5 =	sadd.s32 s30, s5  }
0x8: {  	s6 =	sshll.u32 s6, $0x13;
	s7 =	sor.u32 s8, s7;
	s31 =	sshrl.u32 s9, $0x1  }
0x9: {  	s6 =	sadd.s32 s6, s5;
	s8 =	ssub.s32 s9, s31;
	s7 =	sshrl.u32 s7, $0x3  }
0xa: {  	[dreg:$0x4] =	wrdreg s6;
	s6 =	simm.s32 $0x2;
	s4 =	sadd.s32 s4, s7  }
0xb: {  	s5 =	smax.u32 s8, $0x1;
	s7 =	simm.s32 $0x1;
	s8 =	simm.s32 $0x0  }
.LBB2_1:
0xc: {  	[tilespmem:s3], [sflag:$0x2] =	stream.linear.gather [hbm4b:s1+s3], $0x8000, $0x38;
	[tilespmem:$0x8200] =	vst v63  }
0xd: {  	_ =	swait.ge [sflag:s6], $0x8000  }
0xe: {  	[sflag:s6] =	ssyncset.done $0x0  }
0xf: {  	s9 =	simm.s32 $0x8000;
	[sflag:s6] =	ssyncadd.s32 $0xFFFF8000  }
0x10: {  	[tilespmem:s9], [sflag:$0x2] =	stream.linear.gather [hbm4b:s4+s3], $0x200, $0x38;
	[tilespmem:$0x8200] =	vst v63  }
0x11: {  	_ =	swait.ge [sflag:s6], $0x200  }
0x12: {  	[sflag:s6] =	ssyncset.done $0x0  }
0x13: {  	[sflag:s6] =	ssyncadd.s32 $0xFFFFFE00  }
0x14: {  	v0 =	vld [tilespmem:s9+$0x0];
	_ =	sdelay $0x4  }
0x15: {  	v0 =	vshll.u32 v0, $0xF  }
0x16: {  	v0 =	vshra.s32 v0, $0x2  }
0x17: {  	(v2sf) =	vpush v0, $0x0;
	_ =	sdelay $0x1  }
0x18: {  	(v2sf) =	vpush v0, $0x1;
	_ =	sdelay $0x1  }
0x19: {  	(v2sf) =	vpush v0, $0x2;
	_ =	sdelay $0x1  }
0x1a: {  	(v2sf) =	vpush v0, $0x3;
	_ =	sdelay $0x1  }
0x1b: {  	(v2sf) =	vpush v0, $0x4;
	_ =	sdelay $0x1  }
0x1c: {  	(v2sf) =	vpush v0, $0x5;
	_ =	sdelay $0x1  }
0x1d: {  	(v2sf) =	vpush v0, $0x6;
	_ =	sdelay $0x1  }
0x1e: {  	s22 =	rddreg [dreg:$0x4];
	(v2sf) =	vpush v0, $0x7  }
0x1f: {  	s10 =	sadd.s32 $0x0, s22;
	s23 =	spop (v2sf)  }
0x20: {  	(v2sf) =	vpush v0, $0x8;
	[hbm4b:s10+s3] =	stream.linear.scatter [tilespmem:s23], [sflag:$0x1], $0x2000, $0x38;
	[tilespmem:$0x8200] =	vst v63  }
0x21: {  	s24 =	sadd.s32 $0x400, s10;
	s11 =	spop (v2sf);
	(v2sf) =	vpush v0, $0x9  }
0x22: {  	[hbm4b:s24+s3] =	stream.linear.scatter [tilespmem:s11], [sflag:$0x1], $0x2000, $0x38;
	[tilespmem:$0x8200] =	vst v63  }
0x23: {  	s25 =	sadd.s32 $0x800, s10;
	s26 =	spop (v2sf);
	(v2sf) =	vpush v0, $0xA  }
0x24: {  	[hbm4b:s25+s3] =	stream.linear.scatter [tilespmem:s26], [sflag:$0x1], $0x2000, $0x38;
	[tilespmem:$0x8200] =	vst v63  }
0x25: {  	s28 =	sadd.s32 $0xC00, s10;
	s29 =	spop (v2sf);
	(v2sf) =	vpush v0, $0xB  }
0x26: {  	[hbm4b:s28+s3] =	stream.linear.scatter [tilespmem:s29], [sflag:$0x1], $0x2000, $0x38;
	[tilespmem:$0x8200] =	vst v63  }
0x27: {  	s30 =	sadd.s32 $0x1000, s10;
	s31 =	spop (v2sf);
	(v2sf) =	vpush v0, $0xC  }
0x28: {  	[hbm4b:s30+s3] =	stream.linear.scatter [tilespmem:s31], [sflag:$0x1], $0x2000, $0x38;
	[tilespmem:$0x8200] =	vst v63  }
0x29: {  	s11 =	sadd.s32 $0x1400, s10;
	s12 =	spop (v2sf);
	(v2sf) =	vpush v0, $0xD  }
0x2a: {  	[hbm4b:s11+s3] =	stream.linear.scatter [tilespmem:s12], [sflag:$0x1], $0x2000, $0x38;
	[tilespmem:$0x8200] =	vst v63  }
0x2b: {  	s13 =	sadd.s32 $0x1800, s10;
	s14 =	spop (v2sf);
	(v2sf) =	vpush v0, $0xE  }
0x2c: {  	[hbm4b:s13+s3] =	stream.linear.scatter [tilespmem:s14], [sflag:$0x1], $0x2000, $0x38;
	[tilespmem:$0x8200] =	vst v63  }
0x2d: {  	s15 =	sadd.s32 $0x1C00, s10;
	s16 =	spop (v2sf);
	(v2sf) =	vpush v0, $0xF  }
0x2e: {  	[hbm4b:s15+s3] =	stream.linear.scatter [tilespmem:s16], [sflag:$0x1], $0x2000, $0x38;
	[tilespmem:$0x8200] =	vst v63  }
0x2f: {  	s18 =	spop (v2sf)  }
0x30: {  	s17 =	sadd.s32 $0x2000, s10;
	s20 =	spop (v2sf)  }
0x31: {  	[hbm4b:s17+s3] =	stream.linear.scatter [tilespmem:s18], [sflag:$0x1], $0x2000, $0x38;
	[tilespmem:$0x8200] =	vst v63  }
0x32: {  	s19 =	sadd.s32 $0x2400, s10;
	s22 =	spop (v2sf)  }
0x33: {  	[hbm4b:s19+s3] =	stream.linear.scatter [tilespmem:s20], [sflag:$0x1], $0x2000, $0x38;
	[tilespmem:$0x8200] =	vst v63  }
0x34: {  	s21 =	sadd.s32 $0x2800, s10;
	s24 =	spop (v2sf)  }
0x35: {  	[hbm4b:s21+s3] =	stream.linear.scatter [tilespmem:s22], [sflag:$0x1], $0x2000, $0x38;
	[tilespmem:$0x8200] =	vst v63  }
0x36: {  	s23 =	sadd.s32 $0x2C00, s10;
	s26 =	spop (v2sf)  }
0x37: {  	[hbm4b:s23+s3] =	stream.linear.scatter [tilespmem:s24], [sflag:$0x1], $0x2000, $0x38;
	[tilespmem:$0x8200] =	vst v63  }
0x38: {  	s9 =	simm.s32 $0x4000;
	s25 =	sadd.s32 $0x3000, s10;
	s29 =	spop (v2sf)  }
0x39: {  	[hbm4b:s25+s3] =	stream.linear.scatter [tilespmem:s26], [sflag:$0x1], $0x2000, $0x38;
	[tilespmem:$0x8200] =	vst v63  }
0x3a: {  	s28 =	sadd.s32 $0x3400, s10;
	s30 =	sadd.s32 $0x3800, s10;
	s31 =	spop (v2sf)  }
0x3b: {  	[hbm4b:s28+s3] =	stream.linear.scatter [tilespmem:s29], [sflag:$0x1], $0x2000, $0x38;
	[tilespmem:$0x8200] =	vst v63  }
0x3c: {  	s11 =	sadd.s32 $0x3C00, s10;
	s10 =	simm.s32 $0x8010;
	s12 =	spop (v2sf)  }
0x3d: {  	[hbm4b:s30+s3] =	stream.linear.scatter [tilespmem:s31], [sflag:$0x1], $0x2000, $0x38;
	[tilespmem:$0x8200] =	vst v63  }
.LBB2_2:
0x3e: {  	[hbm4b:s11+s3] =	stream.linear.scatter [tilespmem:s12], [sflag:$0x1], $0x2000, $0x38;
	[tilespmem:$0x8200] =	vst v63  }
0x3f: {  	v0 =	vld [tilespmem:s10+$0x0];
	_ =	sdelay $0x4  }
0x40: {  	v0 =	vshll.u32 v0, $0xF  }
0x41: {  	v0 =	vshra.s32 v0, $0x2  }
0x42: {  	(v2sf) =	vpush v0, $0x0;
	_ =	sdelay $0x1  }
0x43: {  	(v2sf) =	vpush v0, $0x1;
	_ =	sdelay $0x1  }
0x44: {  	(v2sf) =	vpush v0, $0x2;
	_ =	sdelay $0x1  }
0x45: {  	(v2sf) =	vpush v0, $0x3;
	_ =	sdelay $0x1  }
0x46: {  	(v2sf) =	vpush v0, $0x4;
	_ =	sdelay $0x1  }
0x47: {  	(v2sf) =	vpush v0, $0x5;
	_ =	sdelay $0x1  }
0x48: {  	(v2sf) =	vpush v0, $0x6;
	_ =	sdelay $0x1  }
0x49: {  	s19 =	smov.u32 s9;
	s20 =	rddreg [dreg:$0x4];
	(v2sf) =	vpush v0, $0x7  }
0x4a: {  	s11 =	sadd.s32 s19, s20;
	s21 =	spop (v2sf)  }
0x4b: {  	(v2sf) =	vpush v0, $0x8;
	[hbm4b:s11+s3] =	stream.linear.scatter [tilespmem:s21], [sflag:$0x1], $0x2000, $0x38;
	[tilespmem:$0x8200] =	vst v63  }
0x4c: {  	s22 =	sadd.s32 $0x400, s11;
	s13 =	spop (v2sf)  }
0x4d: {  	(v2sf) =	vpush v0, $0x9;
	[hbm4b:s22+s3] =	stream.linear.scatter [tilespmem:s13], [sflag:$0x1], $0x2000, $0x38;
	[tilespmem:$0x8200] =	vst v63  }
0x4e: {  	s23 =	sadd.s32 $0x800, s11;
	s24 =	spop (v2sf)  }
0x4f: {  	(v2sf) =	vpush v0, $0xA;
	[hbm4b:s23+s3] =	stream.linear.scatter [tilespmem:s24], [sflag:$0x1], $0x2000, $0x38;
	[tilespmem:$0x8200] =	vst v63  }
0x50: {  	s25 =	sadd.s32 $0xC00, s11;
	s26 =	spop (v2sf)  }
0x51: {  	(v2sf) =	vpush v0, $0xB;
	[hbm4b:s25+s3] =	stream.linear.scatter [tilespmem:s26], [sflag:$0x1], $0x2000, $0x38;
	[tilespmem:$0x8200] =	vst v63  }
0x52: {  	s28 =	sadd.s32 $0x1000, s11;
	s29 =	spop (v2sf)  }
0x53: {  	(v2sf) =	vpush v0, $0xC;
	[hbm4b:s28+s3] =	stream.linear.scatter [tilespmem:s29], [sflag:$0x1], $0x2000, $0x38;
	[tilespmem:$0x8200] =	vst v63  }
0x54: {  	s30 =	sadd.s32 $0x1400, s11;
	s31 =	spop (v2sf)  }
0x55: {  	(v2sf) =	vpush v0, $0xD;
	[hbm4b:s30+s3] =	stream.linear.scatter [tilespmem:s31], [sflag:$0x1], $0x2000, $0x38;
	[tilespmem:$0x8200] =	vst v63  }
0x56: {  	s13 =	sadd.s32 $0x1800, s11;
	s14 =	spop (v2sf);
	(v2sf) =	vpush v0, $0xE  }
0x57: {  	[hbm4b:s13+s3] =	stream.linear.scatter [tilespmem:s14], [sflag:$0x1], $0x2000, $0x38;
	[tilespmem:$0x8200] =	vst v63  }
0x58: {  	s15 =	sadd.s32 $0x1C00, s11;
	s16 =	spop (v2sf);
	(v2sf) =	vpush v0, $0xF  }
0x59: {  	[hbm4b:s15+s3] =	stream.linear.scatter [tilespmem:s16], [sflag:$0x1], $0x2000, $0x38;
	[tilespmem:$0x8200] =	vst v63  }
0x5a: {  	s17 =	sadd.s32 $0x2000, s11;
	s18 =	spop (v2sf)  }
0x5b: {  	[hbm4b:s17+s3] =	stream.linear.scatter [tilespmem:s18], [sflag:$0x1], $0x2000, $0x38;
	[tilespmem:$0x8200] =	vst v63  }
0x5c: {  	s19 =	sadd.s32 $0x2400, s11;
	s20 =	spop (v2sf)  }
0x5d: {  	[hbm4b:s19+s3] =	stream.linear.scatter [tilespmem:s20], [sflag:$0x1], $0x2000, $0x38;
	[tilespmem:$0x8200] =	vst v63  }
0x5e: {  	s21 =	sadd.s32 $0x2800, s11;
	s22 =	spop (v2sf)  }
0x5f: {  	[hbm4b:s21+s3] =	stream.linear.scatter [tilespmem:s22], [sflag:$0x1], $0x2000, $0x38;
	[tilespmem:$0x8200] =	vst v63  }
0x60: {  	s23 =	sadd.s32 $0x2C00, s11;
	s24 =	spop (v2sf)  }
0x61: {  	[hbm4b:s23+s3] =	stream.linear.scatter [tilespmem:s24], [sflag:$0x1], $0x2000, $0x38;
	[tilespmem:$0x8200] =	vst v63  }
0x62: {  	p0 =	sne.s32 s9, $0x7C000;
	s25 =	sadd.s32 $0x3000, s11;
	s26 =	spop (v2sf)  }
0x63: {  	[hbm4b:s25+s3] =	stream.linear.scatter [tilespmem:s26], [sflag:$0x1], $0x2000, $0x38;
	[tilespmem:$0x8200] =	vst v63  }
.Ltmp0:
0x64: {  	s9 =	sadd.s32 $0x4000, s9;
	s29 =	spop (v2sf);
	(pc) =	sbr.rel @p0 .LBB2_2-.Ltmp0, $4  }
0x65: {  	s10 =	sadd.s32 $0x10, s10;
	s28 =	sadd.s32 $0x3400, s11;
	s31 =	spop (v2sf)  }
0x66: {  	[hbm4b:s28+s3] =	stream.linear.scatter [tilespmem:s29], [sflag:$0x1], $0x2000, $0x38;
	[tilespmem:$0x8200] =	vst v63  }
0x67: {  	s30 =	sadd.s32 $0x3800, s11;
	s11 =	sadd.s32 $0x3C00, s11;
	s12 =	spop (v2sf)  }
0x68: {  	[hbm4b:s30+s3] =	stream.linear.scatter [tilespmem:s31], [sflag:$0x1], $0x2000, $0x38;
	[tilespmem:$0x8200] =	vst v63  }
0x69: {  	[hbm4b:s11+s3] =	stream.linear.scatter [tilespmem:s12], [sflag:$0x1], $0x2000, $0x38;
	[tilespmem:$0x8200] =	vst v63  }
0x6a: {  	_ =	swait.ge [sflag:s7], $0x2000  }
0x6b: {  	s9 =	simm.s32 $0x1FF;
	[sflag:s7] =	ssyncset.done $0x0  }
.LBB2_4:
0x6c: {  	p0 =	sne.s32 s9, $0x1;
	s9 =	sadd.s32 $0xFFFFFFFF, s9;
	[sflag:s7] =	ssyncadd.s32 $0xFFFFE000  }
.Ltmp1:
0x6d: {  	(pc) =	sbr.rel @p0 .LBB2_4-.Ltmp1, $3  }
0x6e: {  	_ =	sdelay $0x1  }
0x6f: {  	_ =	swait.ge [sflag:s7], $0x2000  }
0x70: {  	[sflag:s7] =	ssyncset.done $0x0  }
0x71: {  	s8 =	sadd.s32 $0x1, s8  }
0x72: {  	p0 =	sne.s32 s8, s5  }
.Ltmp2:
0x73: {  	_ = 	snop;
	(pc) =	sbr.rel @p0 .LBB2_1-.Ltmp2, $2  }
0x74: {  	_ =	sdelay $0x2  }
0x75: {  	[sflag:s7] =	ssyncadd.s32 $0xFFFFE000  }
0x76: {  	_ =	sfence.sel $0x180000  }
0x77: {  	[bflag:$0x0] =	sbarrier.arrive $0xFFFF  }
0x78: {  	p0 =	sne.s32 s2, $0x0;
	_ =	strace $0x90000047  }
0x79: {  	s0 =	sadd.s32 @!p0 $0x100000, s0;
	[bflag:$0x2] =	sbarrier.arrive $0xFFFF  }
0x7a: {  	[sflag:s0] =	ssyncadd.tile.s32 @!p0 $0x1;
	_ =	shalt  }
.Lfunc_end2:
_tile_overlayer_lowered:
.L_overlay_start_2:
0x7b: {  	(tag) =	ssettag $0x2  }
0x7c: {  	s0 =	rddreg [dreg:$0x0];
	s2 =	stileid.u32  }
0x7d: {  	s1 =	rddreg [dreg:$0x1];
	p0 =	sne.s32 s2, $0x0  }
0x7e: {  	s3 =	rddreg [dreg:$0x2];
	[bflag:$0x3] =	sbarrier.arrive $0xFFFF;
	s2 =	simm.s32 @!p0 $0x1C02  }
0x7f: {  	[timem:s3], [sflag:s2] =	dma.local @!p0 [hbm:s0], s1  }
0x80: {  	s0 =	simm.s32 @!p0 $0x2  }
0x81: {  	_ =	swait.ge @!p0 [sflag:s0], s1  }
0x82: {  	s1 =	ssub.s32 @!p0 $0x0, s1;
	[sflag:s0] =	ssyncset.done @!p0 $0x0  }
0x83: {  	[sflag:s0] =	ssyncadd.s32 @!p0 s1  }
0x84: {  	[bflag:$0x3] =	sbarrier.arrive $0xFFFF  }
0x85: {  	_ =	shalt  }

</sc_bundles>
